<compile_context>
chip_gen: v7x
topology: tpu7x:2x2x1
jax: 0.10.2.dev20260603
libtpu: 0.0.44.dev20260713+nightly
codegen_flags: <defaults>
</compile_context>

<pallas_src>
import functools

import jax
import jax.numpy as jnp
from jax import lax
from jax.experimental import pallas as pl
from jax.experimental.pallas import tpu as pltpu
from jax.experimental.pallas import tpu_sc as plsc

_CH = 128


@jax.jit
def _biased_embedding(index, vect_weight, bias_weight):
    V, D = vect_weight.shape
    (B,) = index.shape
    info = plsc.get_sparse_core_info()
    nw = info.num_cores * info.num_subcores
    b_per_w = B // nw
    nch = b_per_w // _CH

    mesh = plsc.VectorSubcoreMesh(core_axis_name="core", subcore_axis_name="subcore")

    scratch = (
        [pltpu.VMEM((_CH,), jnp.int32) for _ in range(nch)]
        + [pltpu.VMEM((_CH, D), jnp.float32) for _ in range(nch)]
        + [pltpu.VMEM((_CH,), jnp.float32) for _ in range(nch)]
        + [pltpu.SemaphoreType.DMA]
    )

    @functools.partial(
        pl.kernel,
        out_type=(
            jax.ShapeDtypeStruct((B,), jnp.float32),
            jax.ShapeDtypeStruct((B, D), jnp.float32),
        ),
        mesh=mesh,
        scratch_types=scratch,
        compiler_params=pltpu.CompilerParams(use_tc_tiling_on_sc=False),
    )
    def run(vect_hbm, bias_hbm, idx_hbm, bias_out, vect_out, *bufs):
        idxb = bufs[:nch]
        vbuf = bufs[nch:2 * nch]
        bbuf = bufs[2 * nch:3 * nch]
        sem = bufs[3 * nch]

        wid = lax.axis_index("subcore") * info.num_cores + lax.axis_index("core")
        base = wid * b_per_w

        copies = []
        for w in range(nch):
            wb = base + w * _CH
            pltpu.sync_copy(idx_hbm.at[pl.ds(wb, _CH)], idxb[w])
            copies.append(pltpu.async_copy(vect_hbm.at[idxb[w]], vbuf[w], sem))
            copies.append(pltpu.async_copy(bias_hbm.at[idxb[w]], bbuf[w], sem))
        for c in copies:
            c.wait()
        for w in range(nch):
            wb = base + w * _CH
            pltpu.sync_copy(vbuf[w], vect_out.at[pl.ds(wb, _CH)])
            pltpu.sync_copy(bbuf[w], bias_out.at[pl.ds(wb, _CH)])

    return run(vect_weight, bias_weight.reshape(-1), index)


def kernel(index, vect_weight, bias_weight):
    return _biased_embedding(index.astype(jnp.int32), vect_weight, bias_weight)

# --- scband reference (transcript-rebuilt; emitter-appended) ---
"""Pipeline reference for scband-biased-embedding-56075093016654 (READ-ONLY COPY).

The authoritative reference and input builder live on the scoring server;
editing this copy changes nothing except your own understanding.
"""

import jax, jax.numpy as jnp
import numpy as np

N_FEAT = 1000000
N_DIM = 32
BATCH = 16384


def setup_inputs(seed: int = 0) -> dict:
    key = jax.random.key(seed)
    k1, k2, k3 = jax.random.split(key, 3)
    index = jax.random.randint(k1, (BATCH,), 0, N_FEAT, dtype=jnp.int64 if jax.config.jax_enable_x64 else jnp.int32)
    # xavier_normal init: std = sqrt(2 / (fan_in + fan_out)); for an Embedding weight
    # of shape (n_feat, n_dim), torch treats fan_in=n_dim, fan_out=n_feat
    std_v = float(np.sqrt(2.0 / (N_FEAT + N_DIM)))
    std_b = float(np.sqrt(2.0 / (N_FEAT + 1)))
    vect_weight = jax.random.normal(k2, (N_FEAT, N_DIM), dtype=jnp.float32) * std_v
    bias_weight = jax.random.normal(k3, (N_FEAT, 1), dtype=jnp.float32) * std_b
    return {"index": index, "vect_weight": vect_weight, "bias_weight": bias_weight}


def reference(index, vect_weight, bias_weight):
    # bias(index).squeeze()
    bias = jnp.take(bias_weight, index, axis=0).squeeze()
    # vect(index)
    vect = jnp.take(vect_weight, index, axis=0)
    return (bias, vect)

if __name__ == "__main__":
    import jax
    _d = setup_inputs()
    print(jax.jit(kernel)(*tuple(_d.values())))

</pallas_src>

<mosaic_0001>
#map = affine_map<(d0, d1) -> (0, 0)>
#map1 = affine_map<(d0, d1) -> (0)>
module attributes {stable_mosaic.version = 14 : i64} {
  func.func @run(%arg0: i32, %arg1: i32, %arg2: memref<1000000x32xf32, #tpu.memory_space<hbm>>, %arg3: memref<1000000xf32, #tpu.memory_space<hbm>>, %arg4: memref<16384xi32, #tpu.memory_space<hbm>>, %arg5: memref<16384xf32, #tpu.memory_space<hbm>>, %arg6: memref<16384x32xf32, #tpu.memory_space<hbm>>, %arg7: memref<128xi32, #tpu.memory_space<vmem>>, %arg8: memref<128xi32, #tpu.memory_space<vmem>>, %arg9: memref<128xi32, #tpu.memory_space<vmem>>, %arg10: memref<128xi32, #tpu.memory_space<vmem>>, %arg11: memref<128x32xf32, #tpu.memory_space<vmem>>, %arg12: memref<128x32xf32, #tpu.memory_space<vmem>>, %arg13: memref<128x32xf32, #tpu.memory_space<vmem>>, %arg14: memref<128x32xf32, #tpu.memory_space<vmem>>, %arg15: memref<128xf32, #tpu.memory_space<vmem>>, %arg16: memref<128xf32, #tpu.memory_space<vmem>>, %arg17: memref<128xf32, #tpu.memory_space<vmem>>, %arg18: memref<128xf32, #tpu.memory_space<vmem>>, %arg19: memref<!tpu.dma_semaphore, #tpu.memory_space<semaphore_mem>>) attributes {dimension_semantics = [#tpu.dimension_semantics<core_parallel>, #tpu.dimension_semantics<subcore_parallel>], iteration_bounds = array<i64: 2, 16>, scalar_prefetch = 0 : i64, scratch_operands = 13 : i64, tpu.core_type = #tpu.core_type<sc_vector_subcore>, window_params = [{transform_indices = #map}, {transform_indices = #map1}, {transform_indices = #map1}, {transform_indices = #map1}, {transform_indices = #map}]} {
    %mul3A = arith.constant 2 : i32
    %mul3A_0 = arith.muli %arg1, %mul3A : i32
    %add3A = arith.addi %mul3A_0, %arg0 : i32
    %mul3A_1 = arith.constant 512 : i32
    %mul3A_2 = arith.muli %add3A, %mul3A_1 : i32
    %add3A_3 = arith.constant 0 : i32
    %add3A_4 = arith.addi %mul3A_2, %add3A_3 : i32
    "tpu.region"() ({
      %run_scoped3A = tpu.sem_alloc : memref<!tpu.dma_semaphore, #tpu.memory_space<semaphore_mem>>
      %dma_start3A_57 = tpu.memref_slice %arg4[%add3A_4] : memref<16384xi32, #tpu.memory_space<hbm>> -> memref<128xi32, #tpu.memory_space<hbm>>
      %dma_start3A_58 = tpu.memref_slice %arg4[%add3A_4] : memref<16384xi32, #tpu.memory_space<hbm>> -> memref<128xi32, #tpu.memory_space<hbm>>
      tpu.enqueue_dma source(%dma_start3A_58 : memref<128xi32, #tpu.memory_space<hbm>>) target(%arg7 : memref<128xi32, #tpu.memory_space<vmem>>) target_semaphore(%run_scoped3A : memref<!tpu.dma_semaphore, #tpu.memory_space<semaphore_mem>>)
      %dma_wait3A_59 = tpu.memref_slice %arg4[%add3A_4] : memref<16384xi32, #tpu.memory_space<hbm>> -> memref<128xi32, #tpu.memory_space<hbm>>
      %dma_wait3A_60 = tpu.memref_slice %arg4[%add3A_4] : memref<16384xi32, #tpu.memory_space<hbm>> -> memref<128xi32, #tpu.memory_space<hbm>>
      tpu.wait_dma2 semaphore(%run_scoped3A : memref<!tpu.dma_semaphore, #tpu.memory_space<semaphore_mem>>) src(%dma_wait3A_60 : memref<128xi32, #tpu.memory_space<hbm>>) dst(%arg7 : memref<128xi32, #tpu.memory_space<vmem>>)
      tpu.yield
    }) : () -> ()
    %dma_start3A = arith.constant 0 : i32
    %dma_start3A_5 = arith.constant 0 : i32
    %dma_start3A_6 = tpu.memref_slice %arg2[%dma_start3A, %dma_start3A_5] : memref<1000000x32xf32, #tpu.memory_space<hbm>> -> memref<1000000x32xf32, #tpu.memory_space<hbm>>
    tpu.enqueue_indirect_dma source(%dma_start3A_6 : memref<1000000x32xf32, #tpu.memory_space<hbm>>) target(%arg11 : memref<128x32xf32, #tpu.memory_space<vmem>>) offsets(%arg7 : memref<128xi32, #tpu.memory_space<vmem>>) semaphore(%arg19 : memref<!tpu.dma_semaphore, #tpu.memory_space<semaphore_mem>>)
    %dma_start3A_7 = arith.constant 0 : i32
    %dma_start3A_8 = tpu.memref_slice %arg3[%dma_start3A_7] : memref<1000000xf32, #tpu.memory_space<hbm>> -> memref<1000000xf32, #tpu.memory_space<hbm>>
    tpu.enqueue_indirect_dma source(%dma_start3A_8 : memref<1000000xf32, #tpu.memory_space<hbm>>) target(%arg15 : memref<128xf32, #tpu.memory_space<vmem>>) offsets(%arg7 : memref<128xi32, #tpu.memory_space<vmem>>) semaphore(%arg19 : memref<!tpu.dma_semaphore, #tpu.memory_space<semaphore_mem>>)
    %add3A_9 = arith.constant 128 : i32
    %add3A_10 = arith.addi %mul3A_2, %add3A_9 : i32
    "tpu.region"() ({
      %run_scoped3A = tpu.sem_alloc : memref<!tpu.dma_semaphore, #tpu.memory_space<semaphore_mem>>
      %dma_start3A_57 = tpu.memref_slice %arg4[%add3A_10] : memref<16384xi32, #tpu.memory_space<hbm>> -> memref<128xi32, #tpu.memory_space<hbm>>
      %dma_start3A_58 = tpu.memref_slice %arg4[%add3A_10] : memref<16384xi32, #tpu.memory_space<hbm>> -> memref<128xi32, #tpu.memory_space<hbm>>
      tpu.enqueue_dma source(%dma_start3A_58 : memref<128xi32, #tpu.memory_space<hbm>>) target(%arg8 : memref<128xi32, #tpu.memory_space<vmem>>) target_semaphore(%run_scoped3A : memref<!tpu.dma_semaphore, #tpu.memory_space<semaphore_mem>>)
      %dma_wait3A_59 = tpu.memref_slice %arg4[%add3A_10] : memref<16384xi32, #tpu.memory_space<hbm>> -> memref<128xi32, #tpu.memory_space<hbm>>
      %dma_wait3A_60 = tpu.memref_slice %arg4[%add3A_10] : memref<16384xi32, #tpu.memory_space<hbm>> -> memref<128xi32, #tpu.memory_space<hbm>>
      tpu.wait_dma2 semaphore(%run_scoped3A : memref<!tpu.dma_semaphore, #tpu.memory_space<semaphore_mem>>) src(%dma_wait3A_60 : memref<128xi32, #tpu.memory_space<hbm>>) dst(%arg8 : memref<128xi32, #tpu.memory_space<vmem>>)
      tpu.yield
    }) : () -> ()
    %dma_start3A_11 = arith.constant 0 : i32
    %dma_start3A_12 = arith.constant 0 : i32
    %dma_start3A_13 = tpu.memref_slice %arg2[%dma_start3A_11, %dma_start3A_12] : memref<1000000x32xf32, #tpu.memory_space<hbm>> -> memref<1000000x32xf32, #tpu.memory_space<hbm>>
    tpu.enqueue_indirect_dma source(%dma_start3A_13 : memref<1000000x32xf32, #tpu.memory_space<hbm>>) target(%arg12 : memref<128x32xf32, #tpu.memory_space<vmem>>) offsets(%arg8 : memref<128xi32, #tpu.memory_space<vmem>>) semaphore(%arg19 : memref<!tpu.dma_semaphore, #tpu.memory_space<semaphore_mem>>)
    %dma_start3A_14 = arith.constant 0 : i32
    %dma_start3A_15 = tpu.memref_slice %arg3[%dma_start3A_14] : memref<1000000xf32, #tpu.memory_space<hbm>> -> memref<1000000xf32, #tpu.memory_space<hbm>>
    tpu.enqueue_indirect_dma source(%dma_start3A_15 : memref<1000000xf32, #tpu.memory_space<hbm>>) target(%arg16 : memref<128xf32, #tpu.memory_space<vmem>>) offsets(%arg8 : memref<128xi32, #tpu.memory_space<vmem>>) semaphore(%arg19 : memref<!tpu.dma_semaphore, #tpu.memory_space<semaphore_mem>>)
    %add3A_16 = arith.constant 256 : i32
    %add3A_17 = arith.addi %mul3A_2, %add3A_16 : i32
    "tpu.region"() ({
      %run_scoped3A = tpu.sem_alloc : memref<!tpu.dma_semaphore, #tpu.memory_space<semaphore_mem>>
      %dma_start3A_57 = tpu.memref_slice %arg4[%add3A_17] : memref<16384xi32, #tpu.memory_space<hbm>> -> memref<128xi32, #tpu.memory_space<hbm>>
      %dma_start3A_58 = tpu.memref_slice %arg4[%add3A_17] : memref<16384xi32, #tpu.memory_space<hbm>> -> memref<128xi32, #tpu.memory_space<hbm>>
      tpu.enqueue_dma source(%dma_start3A_58 : memref<128xi32, #tpu.memory_space<hbm>>) target(%arg9 : memref<128xi32, #tpu.memory_space<vmem>>) target_semaphore(%run_scoped3A : memref<!tpu.dma_semaphore, #tpu.memory_space<semaphore_mem>>)
      %dma_wait3A_59 = tpu.memref_slice %arg4[%add3A_17] : memref<16384xi32, #tpu.memory_space<hbm>> -> memref<128xi32, #tpu.memory_space<hbm>>
      %dma_wait3A_60 = tpu.memref_slice %arg4[%add3A_17] : memref<16384xi32, #tpu.memory_space<hbm>> -> memref<128xi32, #tpu.memory_space<hbm>>
      tpu.wait_dma2 semaphore(%run_scoped3A : memref<!tpu.dma_semaphore, #tpu.memory_space<semaphore_mem>>) src(%dma_wait3A_60 : memref<128xi32, #tpu.memory_space<hbm>>) dst(%arg9 : memref<128xi32, #tpu.memory_space<vmem>>)
      tpu.yield
    }) : () -> ()
    %dma_start3A_18 = arith.constant 0 : i32
    %dma_start3A_19 = arith.constant 0 : i32
    %dma_start3A_20 = tpu.memref_slice %arg2[%dma_start3A_18, %dma_start3A_19] : memref<1000000x32xf32, #tpu.memory_space<hbm>> -> memref<1000000x32xf32, #tpu.memory_space<hbm>>
    tpu.enqueue_indirect_dma source(%dma_start3A_20 : memref<1000000x32xf32, #tpu.memory_space<hbm>>) target(%arg13 : memref<128x32xf32, #tpu.memory_space<vmem>>) offsets(%arg9 : memref<128xi32, #tpu.memory_space<vmem>>) semaphore(%arg19 : memref<!tpu.dma_semaphore, #tpu.memory_space<semaphore_mem>>)
    %dma_start3A_21 = arith.constant 0 : i32
    %dma_start3A_22 = tpu.memref_slice %arg3[%dma_start3A_21] : memref<1000000xf32, #tpu.memory_space<hbm>> -> memref<1000000xf32, #tpu.memory_space<hbm>>
    tpu.enqueue_indirect_dma source(%dma_start3A_22 : memref<1000000xf32, #tpu.memory_space<hbm>>) target(%arg17 : memref<128xf32, #tpu.memory_space<vmem>>) offsets(%arg9 : memref<128xi32, #tpu.memory_space<vmem>>) semaphore(%arg19 : memref<!tpu.dma_semaphore, #tpu.memory_space<semaphore_mem>>)
    %add3A_23 = arith.constant 384 : i32
    %add3A_24 = arith.addi %mul3A_2, %add3A_23 : i32
    "tpu.region"() ({
      %run_scoped3A = tpu.sem_alloc : memref<!tpu.dma_semaphore, #tpu.memory_space<semaphore_mem>>
      %dma_start3A_57 = tpu.memref_slice %arg4[%add3A_24] : memref<16384xi32, #tpu.memory_space<hbm>> -> memref<128xi32, #tpu.memory_space<hbm>>
      %dma_start3A_58 = tpu.memref_slice %arg4[%add3A_24] : memref<16384xi32, #tpu.memory_space<hbm>> -> memref<128xi32, #tpu.memory_space<hbm>>
      tpu.enqueue_dma source(%dma_start3A_58 : memref<128xi32, #tpu.memory_space<hbm>>) target(%arg10 : memref<128xi32, #tpu.memory_space<vmem>>) target_semaphore(%run_scoped3A : memref<!tpu.dma_semaphore, #tpu.memory_space<semaphore_mem>>)
      %dma_wait3A_59 = tpu.memref_slice %arg4[%add3A_24] : memref<16384xi32, #tpu.memory_space<hbm>> -> memref<128xi32, #tpu.memory_space<hbm>>
      %dma_wait3A_60 = tpu.memref_slice %arg4[%add3A_24] : memref<16384xi32, #tpu.memory_space<hbm>> -> memref<128xi32, #tpu.memory_space<hbm>>
      tpu.wait_dma2 semaphore(%run_scoped3A : memref<!tpu.dma_semaphore, #tpu.memory_space<semaphore_mem>>) src(%dma_wait3A_60 : memref<128xi32, #tpu.memory_space<hbm>>) dst(%arg10 : memref<128xi32, #tpu.memory_space<vmem>>)
      tpu.yield
    }) : () -> ()
    %dma_start3A_25 = arith.constant 0 : i32
    %dma_start3A_26 = arith.constant 0 : i32
    %dma_start3A_27 = tpu.memref_slice %arg2[%dma_start3A_25, %dma_start3A_26] : memref<1000000x32xf32, #tpu.memory_space<hbm>> -> memref<1000000x32xf32, #tpu.memory_space<hbm>>
    tpu.enqueue_indirect_dma source(%dma_start3A_27 : memref<1000000x32xf32, #tpu.memory_space<hbm>>) target(%arg14 : memref<128x32xf32, #tpu.memory_space<vmem>>) offsets(%arg10 : memref<128xi32, #tpu.memory_space<vmem>>) semaphore(%arg19 : memref<!tpu.dma_semaphore, #tpu.memory_space<semaphore_mem>>)
    %dma_start3A_28 = arith.constant 0 : i32
    %dma_start3A_29 = tpu.memref_slice %arg3[%dma_start3A_28] : memref<1000000xf32, #tpu.memory_space<hbm>> -> memref<1000000xf32, #tpu.memory_space<hbm>>
    tpu.enqueue_indirect_dma source(%dma_start3A_29 : memref<1000000xf32, #tpu.memory_space<hbm>>) target(%arg18 : memref<128xf32, #tpu.memory_space<vmem>>) offsets(%arg10 : memref<128xi32, #tpu.memory_space<vmem>>) semaphore(%arg19 : memref<!tpu.dma_semaphore, #tpu.memory_space<semaphore_mem>>)
    %dma_wait3A = arith.constant 0 : i32
    %dma_wait3A_30 = arith.constant 0 : i32
    %dma_wait3A_31 = tpu.memref_slice %arg2[%dma_wait3A, %dma_wait3A_30] : memref<1000000x32xf32, #tpu.memory_space<hbm>> -> memref<1000000x32xf32, #tpu.memory_space<hbm>>
    tpu.wait_indirect_dma semaphore(%arg19 : memref<!tpu.dma_semaphore, #tpu.memory_space<semaphore_mem>>) src(%dma_wait3A_31 : memref<1000000x32xf32, #tpu.memory_space<hbm>>) dst(%arg11 : memref<128x32xf32, #tpu.memory_space<vmem>>)
    %dma_wait3A_32 = arith.constant 0 : i32
    %dma_wait3A_33 = tpu.memref_slice %arg3[%dma_wait3A_32] : memref<1000000xf32, #tpu.memory_space<hbm>> -> memref<1000000xf32, #tpu.memory_space<hbm>>
    tpu.wait_indirect_dma semaphore(%arg19 : memref<!tpu.dma_semaphore, #tpu.memory_space<semaphore_mem>>) src(%dma_wait3A_33 : memref<1000000xf32, #tpu.memory_space<hbm>>) dst(%arg15 : memref<128xf32, #tpu.memory_space<vmem>>)
    %dma_wait3A_34 = arith.constant 0 : i32
    %dma_wait3A_35 = arith.constant 0 : i32
    %dma_wait3A_36 = tpu.memref_slice %arg2[%dma_wait3A_34, %dma_wait3A_35] : memref<1000000x32xf32, #tpu.memory_space<hbm>> -> memref<1000000x32xf32, #tpu.memory_space<hbm>>
    tpu.wait_indirect_dma semaphore(%arg19 : memref<!tpu.dma_semaphore, #tpu.memory_space<semaphore_mem>>) src(%dma_wait3A_36 : memref<1000000x32xf32, #tpu.memory_space<hbm>>) dst(%arg12 : memref<128x32xf32, #tpu.memory_space<vmem>>)
    %dma_wait3A_37 = arith.constant 0 : i32
    %dma_wait3A_38 = tpu.memref_slice %arg3[%dma_wait3A_37] : memref<1000000xf32, #tpu.memory_space<hbm>> -> memref<1000000xf32, #tpu.memory_space<hbm>>
    tpu.wait_indirect_dma semaphore(%arg19 : memref<!tpu.dma_semaphore, #tpu.memory_space<semaphore_mem>>) src(%dma_wait3A_38 : memref<1000000xf32, #tpu.memory_space<hbm>>) dst(%arg16 : memref<128xf32, #tpu.memory_space<vmem>>)
    %dma_wait3A_39 = arith.constant 0 : i32
    %dma_wait3A_40 = arith.constant 0 : i32
    %dma_wait3A_41 = tpu.memref_slice %arg2[%dma_wait3A_39, %dma_wait3A_40] : memref<1000000x32xf32, #tpu.memory_space<hbm>> -> memref<1000000x32xf32, #tpu.memory_space<hbm>>
    tpu.wait_indirect_dma semaphore(%arg19 : memref<!tpu.dma_semaphore, #tpu.memory_space<semaphore_mem>>) src(%dma_wait3A_41 : memref<1000000x32xf32, #tpu.memory_space<hbm>>) dst(%arg13 : memref<128x32xf32, #tpu.memory_space<vmem>>)
    %dma_wait3A_42 = arith.constant 0 : i32
    %dma_wait3A_43 = tpu.memref_slice %arg3[%dma_wait3A_42] : memref<1000000xf32, #tpu.memory_space<hbm>> -> memref<1000000xf32, #tpu.memory_space<hbm>>
    tpu.wait_indirect_dma semaphore(%arg19 : memref<!tpu.dma_semaphore, #tpu.memory_space<semaphore_mem>>) src(%dma_wait3A_43 : memref<1000000xf32, #tpu.memory_space<hbm>>) dst(%arg17 : memref<128xf32, #tpu.memory_space<vmem>>)
    %dma_wait3A_44 = arith.constant 0 : i32
    %dma_wait3A_45 = arith.constant 0 : i32
    %dma_wait3A_46 = tpu.memref_slice %arg2[%dma_wait3A_44, %dma_wait3A_45] : memref<1000000x32xf32, #tpu.memory_space<hbm>> -> memref<1000000x32xf32, #tpu.memory_space<hbm>>
    tpu.wait_indirect_dma semaphore(%arg19 : memref<!tpu.dma_semaphore, #tpu.memory_space<semaphore_mem>>) src(%dma_wait3A_46 : memref<1000000x32xf32, #tpu.memory_space<hbm>>) dst(%arg14 : memref<128x32xf32, #tpu.memory_space<vmem>>)
    %dma_wait3A_47 = arith.constant 0 : i32
    %dma_wait3A_48 = tpu.memref_slice %arg3[%dma_wait3A_47] : memref<1000000xf32, #tpu.memory_space<hbm>> -> memref<1000000xf32, #tpu.memory_space<hbm>>
    tpu.wait_indirect_dma semaphore(%arg19 : memref<!tpu.dma_semaphore, #tpu.memory_space<semaphore_mem>>) src(%dma_wait3A_48 : memref<1000000xf32, #tpu.memory_space<hbm>>) dst(%arg18 : memref<128xf32, #tpu.memory_space<vmem>>)
    %add3A_49 = arith.constant 0 : i32
    %add3A_50 = arith.addi %mul3A_2, %add3A_49 : i32
    "tpu.region"() ({
      %run_scoped3A = tpu.sem_alloc : memref<!tpu.dma_semaphore, #tpu.memory_space<semaphore_mem>>
      %dma_start3A_57 = arith.constant 0 : i32
      %dma_start3A_58 = tpu.memref_slice %arg6[%add3A_50, %dma_start3A_57] : memref<16384x32xf32, #tpu.memory_space<hbm>> -> memref<128x32xf32, #tpu.memory_space<hbm>>
      %dma_start3A_59 = arith.constant 0 : i32
      %dma_start3A_60 = tpu.memref_slice %arg6[%add3A_50, %dma_start3A_59] : memref<16384x32xf32, #tpu.memory_space<hbm>> -> memref<128x32xf32, #tpu.memory_space<hbm>>
      tpu.enqueue_dma source(%arg11 : memref<128x32xf32, #tpu.memory_space<vmem>>) target(%dma_start3A_60 : memref<128x32xf32, #tpu.memory_space<hbm>>) target_semaphore(%run_scoped3A : memref<!tpu.dma_semaphore, #tpu.memory_space<semaphore_mem>>)
      %dma_wait3A_61 = arith.constant 0 : i32
      %dma_wait3A_62 = tpu.memref_slice %arg6[%add3A_50, %dma_wait3A_61] : memref<16384x32xf32, #tpu.memory_space<hbm>> -> memref<128x32xf32, #tpu.memory_space<hbm>>
      %dma_wait3A_63 = arith.constant 0 : i32
      %dma_wait3A_64 = tpu.memref_slice %arg6[%add3A_50, %dma_wait3A_63] : memref<16384x32xf32, #tpu.memory_space<hbm>> -> memref<128x32xf32, #tpu.memory_space<hbm>>
      tpu.wait_dma2 semaphore(%run_scoped3A : memref<!tpu.dma_semaphore, #tpu.memory_space<semaphore_mem>>) src(%arg11 : memref<128x32xf32, #tpu.memory_space<vmem>>) dst(%dma_wait3A_64 : memref<128x32xf32, #tpu.memory_space<hbm>>)
      tpu.yield
    }) : () -> ()
    "tpu.region"() ({
      %run_scoped3A = tpu.sem_alloc : memref<!tpu.dma_semaphore, #tpu.memory_space<semaphore_mem>>
      %dma_start3A_57 = tpu.memref_slice %arg5[%add3A_50] : memref<16384xf32, #tpu.memory_space<hbm>> -> memref<128xf32, #tpu.memory_space<hbm>>
      %dma_start3A_58 = tpu.memref_slice %arg5[%add3A_50] : memref<16384xf32, #tpu.memory_space<hbm>> -> memref<128xf32, #tpu.memory_space<hbm>>
      tpu.enqueue_dma source(%arg15 : memref<128xf32, #tpu.memory_space<vmem>>) target(%dma_start3A_58 : memref<128xf32, #tpu.memory_space<hbm>>) target_semaphore(%run_scoped3A : memref<!tpu.dma_semaphore, #tpu.memory_space<semaphore_mem>>)
      %dma_wait3A_59 = tpu.memref_slice %arg5[%add3A_50] : memref<16384xf32, #tpu.memory_space<hbm>> -> memref<128xf32, #tpu.memory_space<hbm>>
      %dma_wait3A_60 = tpu.memref_slice %arg5[%add3A_50] : memref<16384xf32, #tpu.memory_space<hbm>> -> memref<128xf32, #tpu.memory_space<hbm>>
      tpu.wait_dma2 semaphore(%run_scoped3A : memref<!tpu.dma_semaphore, #tpu.memory_space<semaphore_mem>>) src(%arg15 : memref<128xf32, #tpu.memory_space<vmem>>) dst(%dma_wait3A_60 : memref<128xf32, #tpu.memory_space<hbm>>)
      tpu.yield
    }) : () -> ()
    %add3A_51 = arith.constant 128 : i32
    %add3A_52 = arith.addi %mul3A_2, %add3A_51 : i32
    "tpu.region"() ({
      %run_scoped3A = tpu.sem_alloc : memref<!tpu.dma_semaphore, #tpu.memory_space<semaphore_mem>>
      %dma_start3A_57 = arith.constant 0 : i32
      %dma_start3A_58 = tpu.memref_slice %arg6[%add3A_52, %dma_start3A_57] : memref<16384x32xf32, #tpu.memory_space<hbm>> -> memref<128x32xf32, #tpu.memory_space<hbm>>
      %dma_start3A_59 = arith.constant 0 : i32
      %dma_start3A_60 = tpu.memref_slice %arg6[%add3A_52, %dma_start3A_59] : memref<16384x32xf32, #tpu.memory_space<hbm>> -> memref<128x32xf32, #tpu.memory_space<hbm>>
      tpu.enqueue_dma source(%arg12 : memref<128x32xf32, #tpu.memory_space<vmem>>) target(%dma_start3A_60 : memref<128x32xf32, #tpu.memory_space<hbm>>) target_semaphore(%run_scoped3A : memref<!tpu.dma_semaphore, #tpu.memory_space<semaphore_mem>>)
      %dma_wait3A_61 = arith.constant 0 : i32
      %dma_wait3A_62 = tpu.memref_slice %arg6[%add3A_52, %dma_wait3A_61] : memref<16384x32xf32, #tpu.memory_space<hbm>> -> memref<128x32xf32, #tpu.memory_space<hbm>>
      %dma_wait3A_63 = arith.constant 0 : i32
      %dma_wait3A_64 = tpu.memref_slice %arg6[%add3A_52, %dma_wait3A_63] : memref<16384x32xf32, #tpu.memory_space<hbm>> -> memref<128x32xf32, #tpu.memory_space<hbm>>
      tpu.wait_dma2 semaphore(%run_scoped3A : memref<!tpu.dma_semaphore, #tpu.memory_space<semaphore_mem>>) src(%arg12 : memref<128x32xf32, #tpu.memory_space<vmem>>) dst(%dma_wait3A_64 : memref<128x32xf32, #tpu.memory_space<hbm>>)
      tpu.yield
    }) : () -> ()
    "tpu.region"() ({
      %run_scoped3A = tpu.sem_alloc : memref<!tpu.dma_semaphore, #tpu.memory_space<semaphore_mem>>
      %dma_start3A_57 = tpu.memref_slice %arg5[%add3A_52] : memref<16384xf32, #tpu.memory_space<hbm>> -> memref<128xf32, #tpu.memory_space<hbm>>
      %dma_start3A_58 = tpu.memref_slice %arg5[%add3A_52] : memref<16384xf32, #tpu.memory_space<hbm>> -> memref<128xf32, #tpu.memory_space<hbm>>
      tpu.enqueue_dma source(%arg16 : memref<128xf32, #tpu.memory_space<vmem>>) target(%dma_start3A_58 : memref<128xf32, #tpu.memory_space<hbm>>) target_semaphore(%run_scoped3A : memref<!tpu.dma_semaphore, #tpu.memory_space<semaphore_mem>>)
      %dma_wait3A_59 = tpu.memref_slice %arg5[%add3A_52] : memref<16384xf32, #tpu.memory_space<hbm>> -> memref<128xf32, #tpu.memory_space<hbm>>
      %dma_wait3A_60 = tpu.memref_slice %arg5[%add3A_52] : memref<16384xf32, #tpu.memory_space<hbm>> -> memref<128xf32, #tpu.memory_space<hbm>>
      tpu.wait_dma2 semaphore(%run_scoped3A : memref<!tpu.dma_semaphore, #tpu.memory_space<semaphore_mem>>) src(%arg16 : memref<128xf32, #tpu.memory_space<vmem>>) dst(%dma_wait3A_60 : memref<128xf32, #tpu.memory_space<hbm>>)
      tpu.yield
    }) : () -> ()
    %add3A_53 = arith.constant 256 : i32
    %add3A_54 = arith.addi %mul3A_2, %add3A_53 : i32
    "tpu.region"() ({
      %run_scoped3A = tpu.sem_alloc : memref<!tpu.dma_semaphore, #tpu.memory_space<semaphore_mem>>
      %dma_start3A_57 = arith.constant 0 : i32
      %dma_start3A_58 = tpu.memref_slice %arg6[%add3A_54, %dma_start3A_57] : memref<16384x32xf32, #tpu.memory_space<hbm>> -> memref<128x32xf32, #tpu.memory_space<hbm>>
      %dma_start3A_59 = arith.constant 0 : i32
      %dma_start3A_60 = tpu.memref_slice %arg6[%add3A_54, %dma_start3A_59] : memref<16384x32xf32, #tpu.memory_space<hbm>> -> memref<128x32xf32, #tpu.memory_space<hbm>>
      tpu.enqueue_dma source(%arg13 : memref<128x32xf32, #tpu.memory_space<vmem>>) target(%dma_start3A_60 : memref<128x32xf32, #tpu.memory_space<hbm>>) target_semaphore(%run_scoped3A : memref<!tpu.dma_semaphore, #tpu.memory_space<semaphore_mem>>)
      %dma_wait3A_61 = arith.constant 0 : i32
      %dma_wait3A_62 = tpu.memref_slice %arg6[%add3A_54, %dma_wait3A_61] : memref<16384x32xf32, #tpu.memory_space<hbm>> -> memref<128x32xf32, #tpu.memory_space<hbm>>
      %dma_wait3A_63 = arith.constant 0 : i32
      %dma_wait3A_64 = tpu.memref_slice %arg6[%add3A_54, %dma_wait3A_63] : memref<16384x32xf32, #tpu.memory_space<hbm>> -> memref<128x32xf32, #tpu.memory_space<hbm>>
      tpu.wait_dma2 semaphore(%run_scoped3A : memref<!tpu.dma_semaphore, #tpu.memory_space<semaphore_mem>>) src(%arg13 : memref<128x32xf32, #tpu.memory_space<vmem>>) dst(%dma_wait3A_64 : memref<128x32xf32, #tpu.memory_space<hbm>>)
      tpu.yield
    }) : () -> ()
    "tpu.region"() ({
      %run_scoped3A = tpu.sem_alloc : memref<!tpu.dma_semaphore, #tpu.memory_space<semaphore_mem>>
      %dma_start3A_57 = tpu.memref_slice %arg5[%add3A_54] : memref<16384xf32, #tpu.memory_space<hbm>> -> memref<128xf32, #tpu.memory_space<hbm>>
      %dma_start3A_58 = tpu.memref_slice %arg5[%add3A_54] : memref<16384xf32, #tpu.memory_space<hbm>> -> memref<128xf32, #tpu.memory_space<hbm>>
      tpu.enqueue_dma source(%arg17 : memref<128xf32, #tpu.memory_space<vmem>>) target(%dma_start3A_58 : memref<128xf32, #tpu.memory_space<hbm>>) target_semaphore(%run_scoped3A : memref<!tpu.dma_semaphore, #tpu.memory_space<semaphore_mem>>)
      %dma_wait3A_59 = tpu.memref_slice %arg5[%add3A_54] : memref<16384xf32, #tpu.memory_space<hbm>> -> memref<128xf32, #tpu.memory_space<hbm>>
      %dma_wait3A_60 = tpu.memref_slice %arg5[%add3A_54] : memref<16384xf32, #tpu.memory_space<hbm>> -> memref<128xf32, #tpu.memory_space<hbm>>
      tpu.wait_dma2 semaphore(%run_scoped3A : memref<!tpu.dma_semaphore, #tpu.memory_space<semaphore_mem>>) src(%arg17 : memref<128xf32, #tpu.memory_space<vmem>>) dst(%dma_wait3A_60 : memref<128xf32, #tpu.memory_space<hbm>>)
      tpu.yield
    }) : () -> ()
    %add3A_55 = arith.constant 384 : i32
    %add3A_56 = arith.addi %mul3A_2, %add3A_55 : i32
    "tpu.region"() ({
      %run_scoped3A = tpu.sem_alloc : memref<!tpu.dma_semaphore, #tpu.memory_space<semaphore_mem>>
      %dma_start3A_57 = arith.constant 0 : i32
      %dma_start3A_58 = tpu.memref_slice %arg6[%add3A_56, %dma_start3A_57] : memref<16384x32xf32, #tpu.memory_space<hbm>> -> memref<128x32xf32, #tpu.memory_space<hbm>>
      %dma_start3A_59 = arith.constant 0 : i32
      %dma_start3A_60 = tpu.memref_slice %arg6[%add3A_56, %dma_start3A_59] : memref<16384x32xf32, #tpu.memory_space<hbm>> -> memref<128x32xf32, #tpu.memory_space<hbm>>
      tpu.enqueue_dma source(%arg14 : memref<128x32xf32, #tpu.memory_space<vmem>>) target(%dma_start3A_60 : memref<128x32xf32, #tpu.memory_space<hbm>>) target_semaphore(%run_scoped3A : memref<!tpu.dma_semaphore, #tpu.memory_space<semaphore_mem>>)
      %dma_wait3A_61 = arith.constant 0 : i32
      %dma_wait3A_62 = tpu.memref_slice %arg6[%add3A_56, %dma_wait3A_61] : memref<16384x32xf32, #tpu.memory_space<hbm>> -> memref<128x32xf32, #tpu.memory_space<hbm>>
      %dma_wait3A_63 = arith.constant 0 : i32
      %dma_wait3A_64 = tpu.memref_slice %arg6[%add3A_56, %dma_wait3A_63] : memref<16384x32xf32, #tpu.memory_space<hbm>> -> memref<128x32xf32, #tpu.memory_space<hbm>>
      tpu.wait_dma2 semaphore(%run_scoped3A : memref<!tpu.dma_semaphore, #tpu.memory_space<semaphore_mem>>) src(%arg14 : memref<128x32xf32, #tpu.memory_space<vmem>>) dst(%dma_wait3A_64 : memref<128x32xf32, #tpu.memory_space<hbm>>)
      tpu.yield
    }) : () -> ()
    "tpu.region"() ({
      %run_scoped3A = tpu.sem_alloc : memref<!tpu.dma_semaphore, #tpu.memory_space<semaphore_mem>>
      %dma_start3A_57 = tpu.memref_slice %arg5[%add3A_56] : memref<16384xf32, #tpu.memory_space<hbm>> -> memref<128xf32, #tpu.memory_space<hbm>>
      %dma_start3A_58 = tpu.memref_slice %arg5[%add3A_56] : memref<16384xf32, #tpu.memory_space<hbm>> -> memref<128xf32, #tpu.memory_space<hbm>>
      tpu.enqueue_dma source(%arg18 : memref<128xf32, #tpu.memory_space<vmem>>) target(%dma_start3A_58 : memref<128xf32, #tpu.memory_space<hbm>>) target_semaphore(%run_scoped3A : memref<!tpu.dma_semaphore, #tpu.memory_space<semaphore_mem>>)
      %dma_wait3A_59 = tpu.memref_slice %arg5[%add3A_56] : memref<16384xf32, #tpu.memory_space<hbm>> -> memref<128xf32, #tpu.memory_space<hbm>>
      %dma_wait3A_60 = tpu.memref_slice %arg5[%add3A_56] : memref<16384xf32, #tpu.memory_space<hbm>> -> memref<128xf32, #tpu.memory_space<hbm>>
      tpu.wait_dma2 semaphore(%run_scoped3A : memref<!tpu.dma_semaphore, #tpu.memory_space<semaphore_mem>>) src(%arg18 : memref<128xf32, #tpu.memory_space<vmem>>) dst(%dma_wait3A_60 : memref<128xf32, #tpu.memory_space<hbm>>)
      tpu.yield
    }) : () -> ()
    return
  }
}

</mosaic_0001>

<sc_bundles>
// kernel: _biased_embedding.3.cloned.1.call-start
scs
__scs_entry_jumppad:
0x0: {  	(pc) =	sbr.rel $0x88, $3  }
0x1: {  	(tag) =	ssettag $0x0;
	lr =	simm.s32 $0x1  }
0x2: {  	[smem:$0x3F9E] =	sst lr;
	_ =	strace $0xD0000000  }
0x3: {  	_ = 	snop  }
0x4: {  	_ = 	snop  }
0x5: {  	_ = 	snop  }
0x6: {  	_ = 	snop  }
0x7: {  	_ = 	snop  }
__scs_overlays_trampoline_lowered:
0x8: {  	[smem:$0x3FAD] =	sst s0  }
0x9: {  	[smem:$0x3FAE] =	sst s1  }
0xa: {  	[smem:$0x3FAF] =	sst s2  }
0xb: {  	[smem:$0x3FB0] =	sst s3  }
0xc: {  	[smem:$0x3FB1] =	sst s4  }
0xd: {  	[smem:$0x3FB2] =	sst s5  }
0xe: {  	[smem:$0x3FB3] =	sst s6  }
0xf: {  	[smem:$0x3FB4] =	sst s7  }
0x10: {  	[smem:$0x3FB5] =	sst s8  }
0x11: {  	[smem:$0x3FB6] =	sst s9;
	s0 =	simm.s32 @!p0 $0x0  }
0x12: {  	s1 =	sld [smem:$0x3F9C];
	s0 =	simm.s32 @p0 $0x1  }
0x13: {  	[smem:$0x3FB7] =	sst s0;
	s0 =	simm.s32 @!p1 $0x0  }
0x14: {  	s2 =	sld [smem:$0x3F9B];
	s0 =	simm.s32 @p1 $0x1  }
0x15: {  	[smem:$0x3FB8] =	sst s0;
	s0 =	simm.s32 @!p2 $0x0  }
0x16: {  	s3 =	sld [smem:$0x3FDB];
	s0 =	simm.s32 @p2 $0x1  }
0x17: {  	s4 =	simm.s32 $0x1BF5;
	[smem:$0x3FBA] =	sst s0  }
0x18: {  	s0 =	sld [smem:$0x3F9D];
	_ =	swait.ge [sflag:s4], $0x0  }
0x19: {  	s7 =	sld [smem:$0x3F9E]  }
0x1a: {  	s8 =	sadd.s32 $0xFFFFE003, lr  }
0x1b: {  	s9 =	sadd.s32 $0xFFFFFEF7, lr;
	s5 =	simm.s32 $0xFFFFFFFF;
	p2 =	slt.u32 s8, $0xFFFFF086  }
0x1c: {  	p1 =	slt.u32 s9, $0xF7A;
	s5 =	simm.s32 @!p2 $0x0  }
0x1d: {  	s5 =	simm.s32 @p1 $0x1;
	p0 =	seq.s32 s7, s2  }
0x1e: {  	s7 =	smul.u32 @!p0 $0xF7A, s2;
	p2 =	seq.s32 @!p0 s5, $0x0  }
0x1f: {  	s9 =	smul.u32 $0xF7A, s1;
	s8 =	simm.s32 @!p0 $0x1BF5;
	p2 =	por !p2, p0  }
0x20: {  	[sflag:s8] =	ssyncset.s32 @!p0 $0xFFFFF086;
	s6 =	sadd.s32 @!p0 s3, s7;
	s7 =	simm.s32 @!p0 $0x108  }
0x21: {  	s3 =	sadd.s32 s3, s9;
	s6 =	sadd.s32 @!p0 $0x88, s6;
	s7 =	simm.s32 @p2 $0x1082  }
0x22: {  	[simem:s7], [sflag:s8] =	dma.local @!p0 [hbm:s6], $0xF7A  }
0x23: {  	s9 =	sor.u32 $0xD0000000, s2;
	s6 =	simm.s32 $0x108;
	_ =	swait.ge @!p0 [sflag:s8], $0x0  }
0x24: {  	s3 =	sadd.s32 $0x88, s3;
	s6 =	simm.s32 @!p1 $0x1082;
	[sflag:s4] =	ssyncset.s32 $0xFFFFF086  }
0x25: {  	[simem:s6], [sflag:s4] =	dma.local [hbm:s3], $0xF7A  }
0x26: {  	[smem:$0x3F9E] =	sst s1;
	(tag) =	ssettag s2;
	_ =	strace s9  }
0x27: {  	s1 =	sld [smem:$0x3FAE]  }
0x28: {  	s2 =	sld [smem:$0x3FAF]  }
0x29: {  	s4 =	sld [smem:$0x3FB1]  }
0x2a: {  	p0 =	seq.s32 s5, $0x0;
	s5 =	sld [smem:$0x3FB2]  }
0x2b: {  	s6 =	sld [smem:$0x3FB3]  }
0x2c: {  	s7 =	sld [smem:$0x3FB4]  }
0x2d: {  	s3 =	simm.s32 $0x108;
	s8 =	sld [smem:$0x3FB5]  }
0x2e: {  	s3 =	simm.s32 @!p0 $0x1082;
	s9 =	sld [smem:$0x3FB6]  }
0x2f: {  	lr =	sadd.s32 s0, s3;
	s0 =	sld [smem:$0x3FAD]  }
0x30: {  	s3 =	sld [smem:$0x3FB0]  }
0x31: {  	[smem:$0x3FB9] =	sst s10  }
0x32: {  	s10 =	sld [smem:$0x3FB7];
	_ =	sdelay $0x3  }
0x33: {  	p0 =	seq.s32 s10, $0x1;
	s10 =	sld [smem:$0x3FB9];
	_ =	sdelay $0x3  }
0x34: {  	[smem:$0x3FB9] =	sst s10  }
0x35: {  	s10 =	sld [smem:$0x3FB8];
	_ =	sdelay $0x3  }
0x36: {  	p1 =	seq.s32 s10, $0x1;
	s10 =	sld [smem:$0x3FB9];
	_ =	sdelay $0x3  }
0x37: {  	[smem:$0x3FB9] =	sst s10  }
0x38: {  	s10 =	sld [smem:$0x3FBA]  }
0x39: {  	_ = 	snop;
	(pc) =	sbr.ind lr, $3  }
0x3a: {  	_ = 	snop  }
0x3b: {  	_ = 	snop  }
0x3c: {  	p2 =	seq.s32 s10, $0x1;
	s10 =	sld [smem:$0x3FB9]  }
0x3d: {  	_ =	shalt  }
0x3e: {  	_ =	shalt  }
0x3f: {  	_ =	shalt  }
0x40: {  	_ =	shalt  }
0x41: {  	_ =	shalt  }
0x42: {  	_ =	shalt  }
0x43: {  	_ =	shalt  }
0x44: {  	_ =	shalt  }
0x45: {  	_ =	shalt  }
0x46: {  	_ =	shalt  }
0x47: {  	_ =	shalt  }
0x48: {  	_ =	shalt  }
0x49: {  	_ =	shalt  }
0x4a: {  	_ =	shalt  }
0x4b: {  	_ =	shalt  }
0x4c: {  	_ =	shalt  }
0x4d: {  	_ =	shalt  }
0x4e: {  	_ =	shalt  }
0x4f: {  	_ =	shalt  }
0x50: {  	_ =	shalt  }
0x51: {  	_ =	shalt  }
0x52: {  	_ =	shalt  }
0x53: {  	_ =	shalt  }
0x54: {  	_ =	shalt  }
0x55: {  	_ =	shalt  }
0x56: {  	_ =	shalt  }
0x57: {  	_ =	shalt  }
0x58: {  	_ =	shalt  }
0x59: {  	_ =	shalt  }
0x5a: {  	_ =	shalt  }
0x5b: {  	_ =	shalt  }
0x5c: {  	_ =	shalt  }
0x5d: {  	_ =	shalt  }
0x5e: {  	_ =	shalt  }
0x5f: {  	_ =	shalt  }
0x60: {  	_ =	shalt  }
0x61: {  	_ =	shalt  }
0x62: {  	_ =	shalt  }
0x63: {  	_ =	shalt  }
0x64: {  	_ =	shalt  }
0x65: {  	_ =	shalt  }
0x66: {  	_ =	shalt  }
0x67: {  	_ =	shalt  }
0x68: {  	_ =	shalt  }
0x69: {  	_ =	shalt  }
0x6a: {  	_ =	shalt  }
0x6b: {  	_ =	shalt  }
0x6c: {  	_ =	shalt  }
0x6d: {  	_ =	shalt  }
0x6e: {  	_ =	shalt  }
0x6f: {  	_ =	shalt  }
0x70: {  	_ =	shalt  }
0x71: {  	_ =	shalt  }
0x72: {  	_ =	shalt  }
0x73: {  	_ =	shalt  }
0x74: {  	_ =	shalt  }
0x75: {  	_ =	shalt  }
0x76: {  	_ =	shalt  }
0x77: {  	_ =	shalt  }
0x78: {  	_ =	shalt  }
0x79: {  	_ =	shalt  }
0x7a: {  	_ =	shalt  }
0x7b: {  	_ =	shalt  }
0x7c: {  	_ =	shalt  }
0x7d: {  	_ =	shalt  }
0x7e: {  	_ =	shalt  }
0x7f: {  	_ =	shalt  }
0x80: {  	_ =	shalt  }
0x81: {  	_ =	shalt  }
0x82: {  	_ =	shalt  }
0x83: {  	_ =	shalt  }
0x84: {  	_ =	shalt  }
0x85: {  	_ =	shalt  }
0x86: {  	_ =	shalt  }
0x87: {  	_ =	shalt  }
.Lfunc_end0:
.L_simem_size_0:
called_computation_lowered:
.L_overlay_start_0:
0x88: {  	s2 =	sld [smem:$0x3FD9]  }
0x89: {  	s3 =	sld [smem:$0x3FFE];
	_ =	sdelay $0x1  }
0x8a: {  	s1 =	srdreg.scid  }
0x8b: {  	s0 =	sand.u32 $0x1, s1  }
0x8c: {  	s14 =	sshll.u32 s0, $0xA;
	s2 =	sadd.s32 s3, s2  }
0x8d: {  	s2 =	sadd.s32 s2, s14  }
0x8e: {  	[smem:$0x3FC5] =	sst s2  }
0x8f: {  	_ = 	snop  }
0x90: {  	s2 =	sld [smem:$0x3FD0];
	_ =	sdelay $0x2  }
0x91: {  	s4 =	simm.s32 $0xA;
	s5 =	simm.s32 $0x10;
	s15 =	sld [smem:$0x3FC9]  }
0x92: {  	[smem:s5], [sflag:s4] =	dma.local [hbm:s2], $0x1  }
0x93: {  	_ =	swait.eq [sflag:s4], $0x1  }
0x94: {  	[sflag:s4] =	ssyncset.done $0x0  }
0x95: {  	s16 =	sld [smem:$0x10];
	[sflag:s4] =	ssyncadd.s32 $0xFFFFFFFF  }
0x96: {  	s17 =	sld [smem:$0x11];
	(tm) =	ssettm $0x1  }
0x97: {  	s18 =	sld [smem:$0x3FFB];
	_ =	sdelay $0x3  }
0x98: {  	_ =	strace s18  }
0x99: {  	s5 =	sld [smem:$0x3FFC];
	_ =	sdelay $0x3  }
0x9a: {  	_ =	strace s5  }
0x9b: {  	s5 =	sld [smem:$0x3FFD];
	_ =	sdelay $0x3  }
0x9c: {  	_ =	strace s5  }
0x9d: {  	_ =	strace $0x8FFFFFFF  }
0x9e: {  	s19 =	sld [smem:$0x3FDB];
	_ =	sdelay $0x1  }
0x9f: {  	s6 =	simm.s32 $_scs_section_size  }
0xa0: {  	s7 =	simm.s32 $_size__tile_overlayer_lowered;
	s8 =	simm.s32 $_tile_overlayer_lowered  }
0xa1: {  	s22 =	simm.s32 $0x1BFF;
	s21 =	sshll.u32 s8, $0x1;
	s5 =	sadd.s32 s6, s19  }
0xa2: {  	s9 =	simm.s32 $0x0;
	s20 =	sshll.u32 s7, $0x1;
	s7 =	sadd.s32 s21, s5  }
0xa3: {  	[timem:s9], [sflag:s22] =	dma.local [hbm:s7], s20  }
0xa4: {  	_ =	swait.ge [sflag:s22], s20  }
0xa5: {  	s6 =	ssub.s32 $0x0, s20;
	[sflag:s22] =	ssyncset.done $0x0  }
0xa6: {  	[sflag:s22] =	ssyncadd.s32 s6;
	_ =	sdelay $0x1  }
0xa7: {  	s23 =	simm.s32 $0x1B8B  }
0xa8: {  	_ =	swait.ge [sflag:s23], $0x1  }
0xa9: {  	[sflag:s23] =	ssyncset.done $0x0  }
0xaa: {  	s25 =	simm.s32 $0x1B8E;
	s24 =	sld [smem:$0x3FFE];
	[sflag:s23] =	ssyncadd.s32 $0xFFFFFFFF  }
0xab: {  	s26 =	simm.s32 $execute0_lowered;
	[smem:$0x3FD2] =	sst s25  }
0xac: {  	s7 =	sshll.u32 s26, $0x1;
	_ =	strace $0x80000046;
	[dreg:$0x1] =	wrdreg $0xFFFFFFFF  }
0xad: {  	s28 =	simm.s32 $_size_execute0_lowered;
	s5 =	sadd.s32 s5, s7;
	[dreg:$0x0] =	wrdreg $0x0  }
0xae: {  	s7 =	sshll.u32 s28, $0x1;
	[dreg:$0x2] =	wrdreg s5  }
0xaf: {  	[dreg:$0x3] =	wrdreg s7  }
0xb0: {  	[dreg:$0x4] =	wrdreg $0xC0  }
0xb1: {  	_ =	task [dreg:s9], $0x5FFFF  }
0xb2: {  	[dreg:$0x1] =	wrdreg $0xFFFFFFFF  }
0xb3: {  	[dreg:$0x0] =	wrdreg $0x60  }
0xb4: {  	[dreg:$0x2] =	wrdreg s24  }
0xb5: {  	[dreg:$0x3] =	wrdreg s15  }
0xb6: {  	[dreg:$0x4] =	wrdreg s16  }
0xb7: {  	[dreg:$0x5] =	wrdreg s17  }
0xb8: {  	[dreg:$0x6] =	wrdreg $0x9  }
0xb9: {  	_ =	task.clear_ibuf [dreg:s9], $0x7FFFF;
	_ =	strace $0x90000046  }
0xba: {  	s29 =	simm.s32 $0x9;
	_ =	strace $0x80000048  }
0xbb: {  	_ =	swait.ge [sflag:s29], $0x1  }
0xbc: {  	[sflag:s29] =	ssyncadd.s32 $0xFFFFFFFF  }
0xbd: {  	_ =	strace $0x90000048  }
0xbe: {  	_ =	sfence  }
0xbf: {  	s30 =	sld [smem:$0x0];
	_ =	sdelay $0x2  }
0xc0: {  	s31 =	sshll.u32 s1, $0xD;
	s1 =	sshrl.u32 s1, $0x2  }
0xc1: {  	s3 =	sand.u32 $0x4000, s31;
	s1 =	sadd.s32 s1, s30  }
0xc2: {  	s0 =	sor.u32 s3, s0;
	s1 =	sshll.u32 s1, $0x11  }
0xc3: {  	s0 =	sor.u32 s1, s0  }
0xc4: {  	s0 =	sadd.s32 $0x8F2B, s0  }
0xc5: {  	[sflag:s0] =	ssyncadd.remote.s32 $0x1  }
0xc6: {  	_ =	sfence.sel $0xFFFF  }
0xc7: {  	[dreg:$0x0] =	wrdreg $0xFFFFFFFF;
	(pc) =	sbr.abs _section_cstart, $3  }
0xc8: {  	[dreg:$0x1] =	wrdreg $0xFFFFFFFF  }
0xc9: {  	_ =	task.clear_ibuf [dreg:s9], $0x2FFFF;
	_ =	strace $0x9FFFFFFF  }
0xca: {  	(tm) =	ssettm $0x7FFFFFFF  }
0xcb: {  	_ =	shalt  }
tec
execute0_lowered:
.L_overlay_start_1:
0x0: {  	(tag) =	ssettag $0x1  }
0x1: {  	s0 =	rddreg [dreg:$0x0];
	s1 =	srdreg.scid  }
0x2: {  	s17 =	rddreg [dreg:$0x1];
	s2 =	stileid.u32;
	s31 =	sand.u32 $0x1, s1  }
0x3: {  	s30 =	rddreg [dreg:$0x2];
	s26 =	sshll.u32 s2, $0xA;
	s3 =	sshll.u32 s31, $0x9  }
0x4: {  	s29 =	rddreg [dreg:$0x3];
	s2 =	simm.s32 $0x0;
	s22 =	sor.u32 s3, s26  }
0x5: {  	[smem:$0x7FF] =	sst s2;
	s23 =	sshrl.u32 s22, $0x3  }
0x6: {  	_ =	strace $0x80000047;
	s3 =	simm.s32 $0x2;
	s4 =	sadd.s32 s17, s23  }
0x7: {  	[tilespmem:s2], [sflag:$0x2] =	stream.linear.gather [hbm4b:s4+s2], $0x80, $0x38;
	[tilespmem:$0x4400] =	vst v63  }
0x8: {  	_ =	swait.ge [sflag:s3], $0x80  }
0x9: {  	s6 =	simm.s32 $0x80;
	s7 =	simm.s32 $0x200;
	[sflag:s3] =	ssyncset.done $0x0  }
0xa: {  	s5 =	sadd.s32 $0xF42A00, s0;
	s24 =	sor.u32 $0x80, s22;
	[sflag:s3] =	ssyncadd.s32 $0xFFFFFF80  }
0xb: {  	[tilespmem:s7], [sflag:$0x1] =	stream.indirect.gather [hbm4b:s5+s6], $0x20, s2, s6, $0xb8;
	[tilespmem:$0x4400] =	vst v63  }
0xc: {  	s9 =	simm.s32 $0x4200;
	s8 =	sadd.s32 $0x600, s0;
	s25 =	sshrl.u32 s24, $0x3  }
0xd: {  	[tilespmem:s9], [sflag:$0x1] =	stream.indirect.gather [hbm4b:s8+s6], $0x1, s2, s6, $0xb8;
	[tilespmem:$0x4400] =	vst v63  }
0xe: {  	s10 =	sadd.s32 s17, s25  }
0xf: {  	[tilespmem:s6], [sflag:$0x2] =	stream.linear.gather [hbm4b:s10+s2], $0x80, $0x38;
	[tilespmem:$0x4400] =	vst v63  }
0x10: {  	_ =	swait.ge [sflag:s3], $0x80  }
0x11: {  	[sflag:s3] =	ssyncset.done $0x0  }
0x12: {  	s11 =	simm.s32 $0x1200;
	s26 =	sor.u32 $0x100, s22;
	[sflag:s3] =	ssyncadd.s32 $0xFFFFFF80  }
0x13: {  	[tilespmem:s11], [sflag:$0x1] =	stream.indirect.gather [hbm4b:s5+s6], $0x20, s6, s6, $0xb8;
	[tilespmem:$0x4400] =	vst v63  }
0x14: {  	s12 =	simm.s32 $0x4280;
	s28 =	sshrl.u32 s26, $0x3  }
0x15: {  	[tilespmem:s12], [sflag:$0x1] =	stream.indirect.gather [hbm4b:s8+s6], $0x1, s6, s6, $0xb8;
	[tilespmem:$0x4400] =	vst v63  }
0x16: {  	s14 =	simm.s32 $0x100;
	s13 =	sadd.s32 s17, s28  }
0x17: {  	[tilespmem:s14], [sflag:$0x2] =	stream.linear.gather [hbm4b:s13+s2], $0x80, $0x38;
	[tilespmem:$0x4400] =	vst v63  }
0x18: {  	_ =	swait.ge [sflag:s3], $0x80  }
0x19: {  	[sflag:s3] =	ssyncset.done $0x0  }
0x1a: {  	s15 =	simm.s32 $0x2200;
	s0 =	sor.u32 $0x180, s22;
	[sflag:s3] =	ssyncadd.s32 $0xFFFFFF80  }
0x1b: {  	[tilespmem:s15], [sflag:$0x1] =	stream.indirect.gather [hbm4b:s5+s6], $0x20, s14, s6, $0xb8;
	[tilespmem:$0x4400] =	vst v63  }
0x1c: {  	s16 =	simm.s32 $0x4300;
	s1 =	sshrl.u32 s0, $0x3  }
0x1d: {  	[tilespmem:s16], [sflag:$0x1] =	stream.indirect.gather [hbm4b:s8+s6], $0x1, s14, s6, $0xb8;
	[tilespmem:$0x4400] =	vst v63  }
0x1e: {  	s18 =	simm.s32 $0x180;
	s17 =	sadd.s32 s17, s1  }
0x1f: {  	[tilespmem:s18], [sflag:$0x2] =	stream.linear.gather [hbm4b:s17+s2], $0x80, $0x38;
	[tilespmem:$0x4400] =	vst v63  }
0x20: {  	_ =	swait.ge [sflag:s3], $0x80  }
0x21: {  	[sflag:s3] =	ssyncset.done $0x0  }
0x22: {  	s19 =	simm.s32 $0x3200;
	[sflag:s3] =	ssyncadd.s32 $0xFFFFFF80  }
0x23: {  	[tilespmem:s19], [sflag:$0x1] =	stream.indirect.gather [hbm4b:s5+s6], $0x20, s18, s6, $0xb8;
	[tilespmem:$0x4400] =	vst v63  }
0x24: {  	s20 =	simm.s32 $0x4380;
	s21 =	simm.s32 $0x1  }
0x25: {  	[tilespmem:s20], [sflag:$0x1] =	stream.indirect.gather [hbm4b:s8+s6], $0x1, s18, s6, $0xb8;
	[tilespmem:$0x4400] =	vst v63  }
0x26: {  	_ =	swait.ge [sflag:s21], $0x1000  }
0x27: {  	[sflag:s21] =	ssyncset.done $0x0  }
0x28: {  	[sflag:s21] =	ssyncadd.s32 $0xFFFFF000  }
0x29: {  	_ =	swait.ge [sflag:s21], $0x80  }
0x2a: {  	[sflag:s21] =	ssyncset.done $0x0  }
0x2b: {  	[sflag:s21] =	ssyncadd.s32 $0xFFFFFF80  }
0x2c: {  	_ =	swait.ge [sflag:s21], $0x1000  }
0x2d: {  	[sflag:s21] =	ssyncset.done $0x0  }
0x2e: {  	[sflag:s21] =	ssyncadd.s32 $0xFFFFF000  }
0x2f: {  	_ =	swait.ge [sflag:s21], $0x80  }
0x30: {  	[sflag:s21] =	ssyncset.done $0x0  }
0x31: {  	[sflag:s21] =	ssyncadd.s32 $0xFFFFFF80  }
0x32: {  	_ =	swait.ge [sflag:s21], $0x1000  }
0x33: {  	[sflag:s21] =	ssyncset.done $0x0  }
0x34: {  	[sflag:s21] =	ssyncadd.s32 $0xFFFFF000  }
0x35: {  	_ =	swait.ge [sflag:s21], $0x80  }
0x36: {  	[sflag:s21] =	ssyncset.done $0x0  }
0x37: {  	[sflag:s21] =	ssyncadd.s32 $0xFFFFFF80  }
0x38: {  	_ =	swait.ge [sflag:s21], $0x1000  }
0x39: {  	[sflag:s21] =	ssyncset.done $0x0  }
0x3a: {  	[sflag:s21] =	ssyncadd.s32 $0xFFFFF000  }
0x3b: {  	_ =	swait.ge [sflag:s21], $0x80  }
0x3c: {  	s22 =	sshll.u32 s22, $0x2;
	[sflag:s21] =	ssyncset.done $0x0  }
0x3d: {  	s22 =	sadd.s32 s29, s22;
	[sflag:s21] =	ssyncadd.s32 $0xFFFFFF80  }
0x3e: {  	[hbm4b:s22+s2] =	stream.linear.scatter [tilespmem:s7], [sflag:$0x2], $0x1000, $0x38;
	[tilespmem:$0x4400] =	vst v63  }
0x3f: {  	_ =	swait.ge [sflag:s3], $0x1000  }
0x40: {  	[sflag:s3] =	ssyncset.done $0x0  }
0x41: {  	s23 =	sadd.s32 s30, s23;
	[sflag:s3] =	ssyncadd.s32 $0xFFFFF000  }
0x42: {  	[hbm4b:s23+s2] =	stream.linear.scatter [tilespmem:s9], [sflag:$0x2], $0x80, $0x38;
	[tilespmem:$0x4400] =	vst v63  }
0x43: {  	_ =	swait.ge [sflag:s3], $0x80  }
0x44: {  	s24 =	sshll.u32 s24, $0x2;
	[sflag:s3] =	ssyncset.done $0x0  }
0x45: {  	s24 =	sadd.s32 s29, s24;
	[sflag:s3] =	ssyncadd.s32 $0xFFFFFF80  }
0x46: {  	[hbm4b:s24+s2] =	stream.linear.scatter [tilespmem:s11], [sflag:$0x2], $0x1000, $0x38;
	[tilespmem:$0x4400] =	vst v63  }
0x47: {  	_ =	swait.ge [sflag:s3], $0x1000  }
0x48: {  	[sflag:s3] =	ssyncset.done $0x0  }
0x49: {  	s25 =	sadd.s32 s30, s25;
	[sflag:s3] =	ssyncadd.s32 $0xFFFFF000  }
0x4a: {  	[hbm4b:s25+s2] =	stream.linear.scatter [tilespmem:s12], [sflag:$0x2], $0x80, $0x38;
	[tilespmem:$0x4400] =	vst v63  }
0x4b: {  	_ =	swait.ge [sflag:s3], $0x80  }
0x4c: {  	s26 =	sshll.u32 s26, $0x2;
	[sflag:s3] =	ssyncset.done $0x0  }
0x4d: {  	s26 =	sadd.s32 s29, s26;
	[sflag:s3] =	ssyncadd.s32 $0xFFFFFF80  }
0x4e: {  	[hbm4b:s26+s2] =	stream.linear.scatter [tilespmem:s15], [sflag:$0x2], $0x1000, $0x38;
	[tilespmem:$0x4400] =	vst v63  }
0x4f: {  	_ =	swait.ge [sflag:s3], $0x1000  }
0x50: {  	s0 =	sshll.u32 s0, $0x2;
	s28 =	sadd.s32 s30, s28;
	[sflag:s3] =	ssyncset.done $0x0  }
0x51: {  	s29 =	sadd.s32 s29, s0;
	s0 =	ssub.s32 $0x2, s31;
	[sflag:s3] =	ssyncadd.s32 $0xFFFFF000  }
0x52: {  	[hbm4b:s28+s2] =	stream.linear.scatter [tilespmem:s16], [sflag:$0x2], $0x80, $0x38;
	[tilespmem:$0x4400] =	vst v63  }
0x53: {  	s31 =	sshrl.u32 s0, $0x1;
	_ =	swait.ge [sflag:s3], $0x80  }
0x54: {  	s0 =	ssub.s32 s0, s31;
	[sflag:s3] =	ssyncset.done $0x0  }
0x55: {  	s0 =	smax.u32 s0, $0x1;
	[sflag:s3] =	ssyncadd.s32 $0xFFFFFF80  }
0x56: {  	[hbm4b:s29+s2] =	stream.linear.scatter [tilespmem:s19], [sflag:$0x2], $0x1000, $0x38;
	[tilespmem:$0x4400] =	vst v63  }
0x57: {  	p0 =	sne.s32 s0, $0x1;
	_ =	swait.ge [sflag:s3], $0x1000  }
.Ltmp0:
0x58: {  	[sflag:s3] =	ssyncset.done $0x0;
	(pc) =	sbr.rel @!p0 .LBB2_2-.Ltmp0, $4  }
0x59: {  	s30 =	sadd.s32 s30, s1;
	[sflag:s3] =	ssyncadd.s32 $0xFFFFF000  }
0x5a: {  	[hbm4b:s30+s2] =	stream.linear.scatter [tilespmem:s20], [sflag:$0x2], $0x80, $0x38;
	[tilespmem:$0x4400] =	vst v63  }
0x5b: {  	_ =	swait.ge [sflag:s3], $0x80  }
0x5c: {  	s31 =	sadd.s32 $0xFFFFFFFF, s0;
	[sflag:s3] =	ssyncset.done $0x0  }
.LBB2_1:
0x5d: {  	p0 =	sne.s32 s31, $0x1;
	s31 =	sadd.s32 $0xFFFFFFFF, s31;
	[sflag:s3] =	ssyncadd.s32 $0xFFFFFF80  }
0x5e: {  	[tilespmem:s2], [sflag:$0x2] =	stream.linear.gather [hbm4b:s4+s2], $0x80, $0x38;
	[tilespmem:$0x4400] =	vst v63  }
0x5f: {  	_ =	swait.ge [sflag:s3], $0x80  }
0x60: {  	[sflag:s3] =	ssyncset.done $0x0  }
0x61: {  	[sflag:s3] =	ssyncadd.s32 $0xFFFFFF80  }
0x62: {  	[tilespmem:s7], [sflag:$0x1] =	stream.indirect.gather [hbm4b:s5+s6], $0x20, s2, s6, $0xb8;
	[tilespmem:$0x4400] =	vst v63  }
0x63: {  	_ = 	snop  }
0x64: {  	[tilespmem:s9], [sflag:$0x1] =	stream.indirect.gather [hbm4b:s8+s6], $0x1, s2, s6, $0xb8;
	[tilespmem:$0x4400] =	vst v63  }
0x65: {  	_ = 	snop  }
0x66: {  	[tilespmem:s6], [sflag:$0x2] =	stream.linear.gather [hbm4b:s10+s2], $0x80, $0x38;
	[tilespmem:$0x4400] =	vst v63  }
0x67: {  	_ =	swait.ge [sflag:s3], $0x80  }
0x68: {  	[sflag:s3] =	ssyncset.done $0x0  }
0x69: {  	[sflag:s3] =	ssyncadd.s32 $0xFFFFFF80  }
0x6a: {  	[tilespmem:s11], [sflag:$0x1] =	stream.indirect.gather [hbm4b:s5+s6], $0x20, s6, s6, $0xb8;
	[tilespmem:$0x4400] =	vst v63  }
0x6b: {  	_ = 	snop  }
0x6c: {  	[tilespmem:s12], [sflag:$0x1] =	stream.indirect.gather [hbm4b:s8+s6], $0x1, s6, s6, $0xb8;
	[tilespmem:$0x4400] =	vst v63  }
0x6d: {  	_ = 	snop  }
0x6e: {  	[tilespmem:s14], [sflag:$0x2] =	stream.linear.gather [hbm4b:s13+s2], $0x80, $0x38;
	[tilespmem:$0x4400] =	vst v63  }
0x6f: {  	_ =	swait.ge [sflag:s3], $0x80  }
0x70: {  	[sflag:s3] =	ssyncset.done $0x0  }
0x71: {  	[sflag:s3] =	ssyncadd.s32 $0xFFFFFF80  }
0x72: {  	[tilespmem:s15], [sflag:$0x1] =	stream.indirect.gather [hbm4b:s5+s6], $0x20, s14, s6, $0xb8;
	[tilespmem:$0x4400] =	vst v63  }
0x73: {  	_ = 	snop  }
0x74: {  	[tilespmem:s16], [sflag:$0x1] =	stream.indirect.gather [hbm4b:s8+s6], $0x1, s14, s6, $0xb8;
	[tilespmem:$0x4400] =	vst v63  }
0x75: {  	_ = 	snop  }
0x76: {  	[tilespmem:s18], [sflag:$0x2] =	stream.linear.gather [hbm4b:s17+s2], $0x80, $0x38;
	[tilespmem:$0x4400] =	vst v63  }
0x77: {  	_ =	swait.ge [sflag:s3], $0x80  }
0x78: {  	[sflag:s3] =	ssyncset.done $0x0  }
0x79: {  	[sflag:s3] =	ssyncadd.s32 $0xFFFFFF80  }
0x7a: {  	[tilespmem:s19], [sflag:$0x1] =	stream.indirect.gather [hbm4b:s5+s6], $0x20, s18, s6, $0xb8;
	[tilespmem:$0x4400] =	vst v63  }
0x7b: {  	_ = 	snop  }
0x7c: {  	[tilespmem:s20], [sflag:$0x1] =	stream.indirect.gather [hbm4b:s8+s6], $0x1, s18, s6, $0xb8;
	[tilespmem:$0x4400] =	vst v63  }
0x7d: {  	_ =	swait.ge [sflag:s21], $0x1000  }
0x7e: {  	[sflag:s21] =	ssyncset.done $0x0  }
0x7f: {  	[sflag:s21] =	ssyncadd.s32 $0xFFFFF000  }
0x80: {  	_ =	swait.ge [sflag:s21], $0x80  }
0x81: {  	[sflag:s21] =	ssyncset.done $0x0  }
0x82: {  	[sflag:s21] =	ssyncadd.s32 $0xFFFFFF80  }
0x83: {  	_ =	swait.ge [sflag:s21], $0x1000  }
0x84: {  	[sflag:s21] =	ssyncset.done $0x0  }
0x85: {  	[sflag:s21] =	ssyncadd.s32 $0xFFFFF000  }
0x86: {  	_ =	swait.ge [sflag:s21], $0x80  }
0x87: {  	[sflag:s21] =	ssyncset.done $0x0  }
0x88: {  	[sflag:s21] =	ssyncadd.s32 $0xFFFFFF80  }
0x89: {  	_ =	swait.ge [sflag:s21], $0x1000  }
0x8a: {  	[sflag:s21] =	ssyncset.done $0x0  }
0x8b: {  	[sflag:s21] =	ssyncadd.s32 $0xFFFFF000  }
0x8c: {  	_ =	swait.ge [sflag:s21], $0x80  }
0x8d: {  	[sflag:s21] =	ssyncset.done $0x0  }
0x8e: {  	[sflag:s21] =	ssyncadd.s32 $0xFFFFFF80  }
0x8f: {  	_ =	swait.ge [sflag:s21], $0x1000  }
0x90: {  	[sflag:s21] =	ssyncset.done $0x0  }
0x91: {  	[sflag:s21] =	ssyncadd.s32 $0xFFFFF000  }
0x92: {  	_ =	swait.ge [sflag:s21], $0x80  }
0x93: {  	[sflag:s21] =	ssyncset.done $0x0  }
0x94: {  	[sflag:s21] =	ssyncadd.s32 $0xFFFFFF80  }
0x95: {  	[hbm4b:s22+s2] =	stream.linear.scatter [tilespmem:s7], [sflag:$0x2], $0x1000, $0x38;
	[tilespmem:$0x4400] =	vst v63  }
0x96: {  	_ =	swait.ge [sflag:s3], $0x1000  }
0x97: {  	[sflag:s3] =	ssyncset.done $0x0  }
0x98: {  	[sflag:s3] =	ssyncadd.s32 $0xFFFFF000  }
0x99: {  	[hbm4b:s23+s2] =	stream.linear.scatter [tilespmem:s9], [sflag:$0x2], $0x80, $0x38;
	[tilespmem:$0x4400] =	vst v63  }
0x9a: {  	_ =	swait.ge [sflag:s3], $0x80  }
0x9b: {  	[sflag:s3] =	ssyncset.done $0x0  }
0x9c: {  	[sflag:s3] =	ssyncadd.s32 $0xFFFFFF80  }
0x9d: {  	[hbm4b:s24+s2] =	stream.linear.scatter [tilespmem:s11], [sflag:$0x2], $0x1000, $0x38;
	[tilespmem:$0x4400] =	vst v63  }
0x9e: {  	_ =	swait.ge [sflag:s3], $0x1000  }
0x9f: {  	[sflag:s3] =	ssyncset.done $0x0  }
0xa0: {  	[sflag:s3] =	ssyncadd.s32 $0xFFFFF000  }
0xa1: {  	[hbm4b:s25+s2] =	stream.linear.scatter [tilespmem:s12], [sflag:$0x2], $0x80, $0x38;
	[tilespmem:$0x4400] =	vst v63  }
0xa2: {  	_ =	swait.ge [sflag:s3], $0x80  }
0xa3: {  	[sflag:s3] =	ssyncset.done $0x0  }
0xa4: {  	[sflag:s3] =	ssyncadd.s32 $0xFFFFFF80  }
0xa5: {  	[hbm4b:s26+s2] =	stream.linear.scatter [tilespmem:s15], [sflag:$0x2], $0x1000, $0x38;
	[tilespmem:$0x4400] =	vst v63  }
0xa6: {  	_ =	swait.ge [sflag:s3], $0x1000  }
0xa7: {  	[sflag:s3] =	ssyncset.done $0x0  }
0xa8: {  	[sflag:s3] =	ssyncadd.s32 $0xFFFFF000  }
0xa9: {  	[hbm4b:s28+s2] =	stream.linear.scatter [tilespmem:s16], [sflag:$0x2], $0x80, $0x38;
	[tilespmem:$0x4400] =	vst v63  }
0xaa: {  	_ =	swait.ge [sflag:s3], $0x80  }
0xab: {  	[sflag:s3] =	ssyncset.done $0x0  }
0xac: {  	[sflag:s3] =	ssyncadd.s32 $0xFFFFFF80  }
0xad: {  	[hbm4b:s29+s2] =	stream.linear.scatter [tilespmem:s19], [sflag:$0x2], $0x1000, $0x38;
	[tilespmem:$0x4400] =	vst v63  }
0xae: {  	_ =	swait.ge [sflag:s3], $0x1000  }
.Ltmp1:
0xaf: {  	[sflag:s3] =	ssyncset.done $0x0;
	(pc) =	sbr.rel @p0 .LBB2_1-.Ltmp1, $4  }
0xb0: {  	[sflag:s3] =	ssyncadd.s32 $0xFFFFF000  }
0xb1: {  	[hbm4b:s30+s2] =	stream.linear.scatter [tilespmem:s20], [sflag:$0x2], $0x80, $0x38;
	[tilespmem:$0x4400] =	vst v63  }
0xb2: {  	_ =	swait.ge [sflag:s3], $0x80  }
0xb3: {  	[sflag:s3] =	ssyncset.done $0x0  }
.LBB2_2:
0xb4: {  	[sflag:s3] =	ssyncadd.s32 $0xFFFFFF80  }
0xb5: {  	_ =	sfence.sel $0x180000  }
0xb6: {  	[bflag:$0x0] =	sbarrier.arrive $0xFFFF  }
0xb7: {  	_ =	strace $0x90000047  }
0xb8: {  	s0 =	stileid.u32;
	[bflag:$0x2] =	sbarrier.arrive $0xFFFF  }
0xb9: {  	p0 =	sne.s32 s0, $0x0;
	s0 =	rddreg [dreg:$0x4]  }
0xba: {  	s0 =	sadd.s32 @!p0 $0x100000, s0  }
0xbb: {  	[sflag:s0] =	ssyncadd.tile.s32 @!p0 $0x1;
	_ =	shalt  }
.Lfunc_end2:
_tile_overlayer_lowered:
.L_overlay_start_2:
0xbc: {  	(tag) =	ssettag $0x2  }
0xbd: {  	s0 =	rddreg [dreg:$0x0];
	s2 =	stileid.u32  }
0xbe: {  	s1 =	rddreg [dreg:$0x1];
	p0 =	sne.s32 s2, $0x0  }
0xbf: {  	s3 =	rddreg [dreg:$0x2];
	[bflag:$0x3] =	sbarrier.arrive $0xFFFF;
	s2 =	simm.s32 @!p0 $0x1C02  }
0xc0: {  	[timem:s3], [sflag:s2] =	dma.local @!p0 [hbm:s0], s1  }
0xc1: {  	s0 =	simm.s32 @!p0 $0x2  }
0xc2: {  	_ =	swait.ge @!p0 [sflag:s0], s1  }
0xc3: {  	s1 =	ssub.s32 @!p0 $0x0, s1;
	[sflag:s0] =	ssyncset.done @!p0 $0x0  }
0xc4: {  	[sflag:s0] =	ssyncadd.s32 @!p0 s1  }
0xc5: {  	[bflag:$0x3] =	sbarrier.arrive $0xFFFF  }
0xc6: {  	_ =	shalt  }

</sc_bundles>
